<compile_context>
chip_gen: v7x
topology: tpu7x:2x2x1
jax: 0.10.2.dev20260603
libtpu: 0.0.44.dev20260713+nightly
codegen_flags: <defaults>
</compile_context>

<pallas_src>
import functools

import jax
import jax.numpy as jnp
import numpy as np
from jax import lax
from jax.experimental import pallas as pl
from jax.experimental.pallas import tpu as pltpu
from jax.experimental.pallas import tpu_sc as plsc

N = 32768
KITER = 64
EPS = float(np.finfo(np.float32).tiny)
NS = 16
L = 16
CHUNK = N // NS
NV = CHUNK // L
UNROLL = 8

_mesh = plsc.VectorSubcoreMesh(core_axis_name="c", subcore_axis_name="s",
                               num_cores=1)


@functools.partial(
    pl.kernel,
    out_type=jax.ShapeDtypeStruct((N,), jnp.float32),
    mesh=_mesh,
    scratch_types=[
        pltpu.VMEM((CHUNK,), jnp.float32),
        pltpu.VMEM((CHUNK,), jnp.float32),
        pltpu.VMEM((NS * L,), jnp.float32),
        pltpu.VMEM((L,), jnp.float32),
        pltpu.VMEM_SHARED((2 * NS * L,), jnp.float32),
    ],
    compiler_params=pltpu.CompilerParams(needs_layout_passes=False),
)
def _relaxed_topk_sc(scores_hbm, out_hbm, u_ref, khot_ref, parts_ref,
                     mine_ref, shared_ref):
    sid = lax.axis_index("s")
    base = sid * CHUNK
    lane = lax.iota(jnp.int32, L)

    dnums = lax.GatherDimensionNumbers(offset_dims=(), collapsed_slice_dims=(0,),
                                       start_index_map=(0,))

    def butterfly_sum(v):
        for shift in (8, 4, 2, 1):
            sh = lax.gather(v, jnp.bitwise_xor(lane, shift)[:, None], dnums,
                            slice_sizes=(1,), unique_indices=True,
                            mode=lax.GatherScatterMode.PROMISE_IN_BOUNDS)
            v = v + sh
        return v

    pltpu.sync_copy(scores_hbm.at[pl.ds(base, CHUNK)], khot_ref)

    zeros4 = (jnp.zeros((L,), jnp.float32),) * 4

    @plsc.parallel_loop(0, NV, 1, unroll=UNROLL, carry=zeros4)
    def init_u(i, accs):
        off = i * L
        u = jnp.exp(khot_ref[pl.ds(off, L)])
        u_ref[pl.ds(off, L)] = u
        khot_ref[pl.ds(off, L)] = jnp.zeros((L,), jnp.float32)
        return (accs[1], accs[2], accs[3], accs[0] + u)

    def outer(t, accs):
        slot = lax.rem(t, 2) * (NS * L)
        mine_ref[...] = (accs[0] + accs[1]) + (accs[2] + accs[3])
        pltpu.sync_copy(mine_ref, shared_ref.at[pl.ds(slot + sid * L, L)])
        plsc.subcore_barrier()
        pltpu.sync_copy(shared_ref.at[pl.ds(slot, NS * L)], parts_ref)

        vs = [parts_ref[pl.ds(i * L, L)] for i in range(NS)]
        while len(vs) > 1:
            vs = [vs[2 * i] + vs[2 * i + 1] for i in range(len(vs) // 2)]
        rinv = 1.0 / butterfly_sum(vs[0])

        @plsc.parallel_loop(0, NV, 1, unroll=UNROLL, carry=zeros4)
        def update(i, accs2):
            off = i * L
            u = u_ref[pl.ds(off, L)]
            p = u * rinv
            khot_ref[pl.ds(off, L)] = khot_ref[pl.ds(off, L)] + p
            un = p * jnp.maximum(1.0 - p, EPS)
            u_ref[pl.ds(off, L)] = un
            return (accs2[1], accs2[2], accs2[3], accs2[0] + un)

        return update

    lax.fori_loop(0, KITER, outer, init_u)

    pltpu.sync_copy(khot_ref, out_hbm.at[pl.ds(base, CHUNK)])


def kernel(scores):
    return _relaxed_topk_sc(scores)

# --- scband reference (transcript-rebuilt; emitter-appended) ---
"""Pipeline reference for scband-relaxed-top-k-63221918597511 (READ-ONLY COPY).

The authoritative reference and input builder live on the scoring server;
editing this copy changes nothing except your own understanding.
"""

import jax, jax.numpy as jnp
import numpy as np

EPSILON = float(np.finfo(np.float32).tiny)
K = 64
HARD = False


def setup_inputs(seed: int = 0) -> dict:
    key = jax.random.key(seed)
    scores = jax.random.normal(key, (32768,), dtype=jnp.float32)
    return {"scores": scores}


def reference(scores: jnp.ndarray) -> jnp.ndarray:
    khot = jnp.zeros_like(scores)
    onehot_approx = jnp.zeros_like(scores)
    s = scores
    for _ in range(K):
        khot_mask = jnp.maximum(1.0 - onehot_approx, EPSILON)
        s = s + jnp.log(khot_mask)
        onehot_approx = jax.nn.softmax(s)
        khot = khot + onehot_approx
    if HARD:
        _, ind = jax.lax.top_k(khot, K)
        khot_hard = jnp.zeros_like(khot).at[ind].set(1.0)
        res = khot_hard - jax.lax.stop_gradient(khot) + khot
    else:
        res = khot
    return res

if __name__ == "__main__":
    import jax
    _d = setup_inputs()
    print(jax.jit(kernel)(*tuple(_d.values())))

</pallas_src>

<mosaic_0001>
#map = affine_map<(d0, d1) -> (0)>
module attributes {stable_mosaic.version = 14 : i64} {
  func.func @_relaxed_topk_sc(%arg0: i32, %arg1: i32, %arg2: memref<32768xf32, #tpu.memory_space<hbm>>, %arg3: memref<32768xf32, #tpu.memory_space<hbm>>, %arg4: memref<2048xf32, #tpu.memory_space<vmem>>, %arg5: memref<2048xf32, #tpu.memory_space<vmem>>, %arg6: memref<256xf32, #tpu.memory_space<vmem>>, %arg7: memref<16xf32, #tpu.memory_space<vmem>>, %arg8: memref<512xf32, #tpu.memory_space<vmem_shared>>) attributes {dimension_semantics = [#tpu.dimension_semantics<core_parallel>, #tpu.dimension_semantics<subcore_parallel>], iteration_bounds = array<i64: 1, 16>, scalar_prefetch = 0 : i64, scratch_operands = 5 : i64, tpu.core_type = #tpu.core_type<sc_vector_subcore>, window_params = [{transform_indices = #map}, {transform_indices = #map}]} {
    %mul3A = arith.constant 2048 : i32
    %mul3A_0 = arith.muli %arg1, %mul3A : i32
    %iota3A = tpu.iota {dimensions = array<i32: 0>} : vector<16xi32>
    "tpu.region"() ({
      %run_scoped3A = tpu.sem_alloc : memref<!tpu.dma_semaphore, #tpu.memory_space<semaphore_mem>>
      %dma_start3A = tpu.memref_slice %arg2[%mul3A_0] : memref<32768xf32, #tpu.memory_space<hbm>> -> memref<2048xf32, #tpu.memory_space<hbm>>
      %dma_start3A_10 = tpu.memref_slice %arg2[%mul3A_0] : memref<32768xf32, #tpu.memory_space<hbm>> -> memref<2048xf32, #tpu.memory_space<hbm>>
      tpu.enqueue_dma source(%dma_start3A_10 : memref<2048xf32, #tpu.memory_space<hbm>>) target(%arg5 : memref<2048xf32, #tpu.memory_space<vmem>>) target_semaphore(%run_scoped3A : memref<!tpu.dma_semaphore, #tpu.memory_space<semaphore_mem>>)
      %dma_wait3A = tpu.memref_slice %arg2[%mul3A_0] : memref<32768xf32, #tpu.memory_space<hbm>> -> memref<2048xf32, #tpu.memory_space<hbm>>
      %dma_wait3A_11 = tpu.memref_slice %arg2[%mul3A_0] : memref<32768xf32, #tpu.memory_space<hbm>> -> memref<2048xf32, #tpu.memory_space<hbm>>
      tpu.wait_dma2 semaphore(%run_scoped3A : memref<!tpu.dma_semaphore, #tpu.memory_space<semaphore_mem>>) src(%dma_wait3A_11 : memref<2048xf32, #tpu.memory_space<hbm>>) dst(%arg5 : memref<2048xf32, #tpu.memory_space<vmem>>)
      tpu.yield
    }) : () -> ()
    %broadcast_in_dim3A = arith.constant 0.000000e+00 : f32
    %broadcast_in_dim3A_1 = vector.broadcast %broadcast_in_dim3A : f32 to vector<16xf32>
    %parallel_loop3A = arith.constant 0 : i32
    %parallel_loop3A_2 = arith.constant 128 : i32
    %parallel_loop3A_3 = arith.constant 1 : i32
    %parallel_loop3A_4:4 = scf.for %parallel_loop3A_10 = %parallel_loop3A to %parallel_loop3A_2 step %parallel_loop3A_3 iter_args(%parallel_loop3A_11 = %broadcast_in_dim3A_1, %parallel_loop3A_12 = %broadcast_in_dim3A_1, %parallel_loop3A_13 = %broadcast_in_dim3A_1, %parallel_loop3A_14 = %broadcast_in_dim3A_1) -> (vector<16xf32>, vector<16xf32>, vector<16xf32>, vector<16xf32>)  : i32 {
      %parallel_loop3A_15 = arith.constant 16 : i32
      %parallel_loop3A_16 = arith.muli %parallel_loop3A_10, %parallel_loop3A_15 : i32
      %parallel_loop3A_17 = arith.index_cast %parallel_loop3A_16 : i32 to index
      %parallel_loop3A_18 = tpu.vector_load %arg5[%parallel_loop3A_17] {strides = array<i32>} : memref<2048xf32, #tpu.memory_space<vmem>>, vector<16xf32>,
      %parallel_loop3A_19 = math.exp %parallel_loop3A_18 : vector<16xf32>
      %parallel_loop3A_20 = arith.index_cast %parallel_loop3A_16 : i32 to index
      %parallel_loop3A_21 = tpu.vector_load %arg4[%parallel_loop3A_20] {strides = array<i32>} : memref<2048xf32, #tpu.memory_space<vmem>>, vector<16xf32>,
      tpu.vector_store %arg4[%parallel_loop3A_20], %parallel_loop3A_19 {strides = array<i32>} : memref<2048xf32, #tpu.memory_space<vmem>>, vector<16xf32>,
      %parallel_loop3A_22 = arith.constant 0.000000e+00 : f32
      %parallel_loop3A_23 = vector.broadcast %parallel_loop3A_22 : f32 to vector<16xf32>
      %parallel_loop3A_24 = arith.index_cast %parallel_loop3A_16 : i32 to index
      %parallel_loop3A_25 = tpu.vector_load %arg5[%parallel_loop3A_24] {strides = array<i32>} : memref<2048xf32, #tpu.memory_space<vmem>>, vector<16xf32>,
      tpu.vector_store %arg5[%parallel_loop3A_24], %parallel_loop3A_23 {strides = array<i32>} : memref<2048xf32, #tpu.memory_space<vmem>>, vector<16xf32>,
      %parallel_loop3A_26 = arith.addf %parallel_loop3A_11, %parallel_loop3A_19 : vector<16xf32>
      scf.yield %parallel_loop3A_12, %parallel_loop3A_13, %parallel_loop3A_14, %parallel_loop3A_26 : vector<16xf32>, vector<16xf32>, vector<16xf32>, vector<16xf32>
    } {sc.loop_unroll_factor = 8 : i64, sc.parallel_access}
    %scan3A = arith.constant 0 : i32
    %scan3A_5 = arith.constant 64 : i32
    %scan3A_6 = arith.addi %scan3A, %scan3A_5 : i32
    %scan3A_7 = arith.constant 1 : i32
    %scan3A_8:4 = scf.for %scan3A_10 = %scan3A to %scan3A_6 step %scan3A_7 iter_args(%scan3A_11 = %parallel_loop3A_4#0, %scan3A_12 = %parallel_loop3A_4#1, %scan3A_13 = %parallel_loop3A_4#2, %scan3A_14 = %parallel_loop3A_4#3) -> (vector<16xf32>, vector<16xf32>, vector<16xf32>, vector<16xf32>)  : i32 {
      %rem3A = arith.constant 2 : i32
      %rem3A_15 = arith.remsi %scan3A_10, %rem3A : i32
      %mul3A_16 = arith.constant 256 : i32
      %mul3A_17 = arith.muli %rem3A_15, %mul3A_16 : i32
      %add3A = arith.addf %scan3A_11, %scan3A_12 : vector<16xf32>
      %add3A_18 = arith.addf %scan3A_13, %scan3A_14 : vector<16xf32>
      %add3A_19 = arith.addf %add3A, %add3A_18 : vector<16xf32>
      %swap3A = arith.constant 0 : index
      %swap3A_20 = tpu.vector_load %arg7[%swap3A] {strides = array<i32>} : memref<16xf32, #tpu.memory_space<vmem>>, vector<16xf32>,
      tpu.vector_store %arg7[%swap3A], %add3A_19 {strides = array<i32>} : memref<16xf32, #tpu.memory_space<vmem>>, vector<16xf32>,
      %mul3A_21 = arith.constant 16 : i32
      %mul3A_22 = arith.muli %arg1, %mul3A_21 : i32
      %add3A_23 = arith.addi %mul3A_17, %mul3A_22 : i32
      "tpu.region"() ({
        %run_scoped3A = tpu.sem_alloc : memref<!tpu.dma_semaphore, #tpu.memory_space<semaphore_mem>>
        %dma_start3A = tpu.memref_slice %arg8[%add3A_23] : memref<512xf32, #tpu.memory_space<vmem_shared>> -> memref<16xf32, #tpu.memory_space<vmem_shared>>
        %dma_start3A_102 = tpu.memref_slice %arg8[%add3A_23] : memref<512xf32, #tpu.memory_space<vmem_shared>> -> memref<16xf32, #tpu.memory_space<vmem_shared>>
        tpu.enqueue_dma source(%arg7 : memref<16xf32, #tpu.memory_space<vmem>>) target(%dma_start3A_102 : memref<16xf32, #tpu.memory_space<vmem_shared>>) target_semaphore(%run_scoped3A : memref<!tpu.dma_semaphore, #tpu.memory_space<semaphore_mem>>)
        %dma_wait3A = tpu.memref_slice %arg8[%add3A_23] : memref<512xf32, #tpu.memory_space<vmem_shared>> -> memref<16xf32, #tpu.memory_space<vmem_shared>>
        %dma_wait3A_103 = tpu.memref_slice %arg8[%add3A_23] : memref<512xf32, #tpu.memory_space<vmem_shared>> -> memref<16xf32, #tpu.memory_space<vmem_shared>>
        tpu.wait_dma2 semaphore(%run_scoped3A : memref<!tpu.dma_semaphore, #tpu.memory_space<semaphore_mem>>) src(%arg7 : memref<16xf32, #tpu.memory_space<vmem>>) dst(%dma_wait3A_103 : memref<16xf32, #tpu.memory_space<vmem_shared>>)
        tpu.yield
      }) : () -> ()
      %barrier3A = arith.constant 0 : index
      tpu.barrier barrier_id(%barrier3A)
      "tpu.region"() ({
        %run_scoped3A = tpu.sem_alloc : memref<!tpu.dma_semaphore, #tpu.memory_space<semaphore_mem>>
        %dma_start3A = tpu.memref_slice %arg8[%mul3A_17] : memref<512xf32, #tpu.memory_space<vmem_shared>> -> memref<256xf32, #tpu.memory_space<vmem_shared>>
        %dma_start3A_102 = tpu.memref_slice %arg8[%mul3A_17] : memref<512xf32, #tpu.memory_space<vmem_shared>> -> memref<256xf32, #tpu.memory_space<vmem_shared>>
        tpu.enqueue_dma source(%dma_start3A_102 : memref<256xf32, #tpu.memory_space<vmem_shared>>) target(%arg6 : memref<256xf32, #tpu.memory_space<vmem>>) target_semaphore(%run_scoped3A : memref<!tpu.dma_semaphore, #tpu.memory_space<semaphore_mem>>)
        %dma_wait3A = tpu.memref_slice %arg8[%mul3A_17] : memref<512xf32, #tpu.memory_space<vmem_shared>> -> memref<256xf32, #tpu.memory_space<vmem_shared>>
        %dma_wait3A_103 = tpu.memref_slice %arg8[%mul3A_17] : memref<512xf32, #tpu.memory_space<vmem_shared>> -> memref<256xf32, #tpu.memory_space<vmem_shared>>
        tpu.wait_dma2 semaphore(%run_scoped3A : memref<!tpu.dma_semaphore, #tpu.memory_space<semaphore_mem>>) src(%dma_wait3A_103 : memref<256xf32, #tpu.memory_space<vmem_shared>>) dst(%arg6 : memref<256xf32, #tpu.memory_space<vmem>>)
        tpu.yield
      }) : () -> ()
      %get3A = arith.constant 0 : index
      %get3A_24 = tpu.vector_load %arg6[%get3A] {strides = array<i32>} : memref<256xf32, #tpu.memory_space<vmem>>, vector<16xf32>,
      %get3A_25 = arith.constant 16 : index
      %get3A_26 = tpu.vector_load %arg6[%get3A_25] {strides = array<i32>} : memref<256xf32, #tpu.memory_space<vmem>>, vector<16xf32>,
      %get3A_27 = arith.constant 32 : index
      %get3A_28 = tpu.vector_load %arg6[%get3A_27] {strides = array<i32>} : memref<256xf32, #tpu.memory_space<vmem>>, vector<16xf32>,
      %get3A_29 = arith.constant 48 : index
      %get3A_30 = tpu.vector_load %arg6[%get3A_29] {strides = array<i32>} : memref<256xf32, #tpu.memory_space<vmem>>, vector<16xf32>,
      %get3A_31 = arith.constant 64 : index
      %get3A_32 = tpu.vector_load %arg6[%get3A_31] {strides = array<i32>} : memref<256xf32, #tpu.memory_space<vmem>>, vector<16xf32>,
      %get3A_33 = arith.constant 80 : index
      %get3A_34 = tpu.vector_load %arg6[%get3A_33] {strides = array<i32>} : memref<256xf32, #tpu.memory_space<vmem>>, vector<16xf32>,
      %get3A_35 = arith.constant 96 : index
      %get3A_36 = tpu.vector_load %arg6[%get3A_35] {strides = array<i32>} : memref<256xf32, #tpu.memory_space<vmem>>, vector<16xf32>,
      %get3A_37 = arith.constant 112 : index
      %get3A_38 = tpu.vector_load %arg6[%get3A_37] {strides = array<i32>} : memref<256xf32, #tpu.memory_space<vmem>>, vector<16xf32>,
      %get3A_39 = arith.constant 128 : index
      %get3A_40 = tpu.vector_load %arg6[%get3A_39] {strides = array<i32>} : memref<256xf32, #tpu.memory_space<vmem>>, vector<16xf32>,
      %get3A_41 = arith.constant 144 : index
      %get3A_42 = tpu.vector_load %arg6[%get3A_41] {strides = array<i32>} : memref<256xf32, #tpu.memory_space<vmem>>, vector<16xf32>,
      %get3A_43 = arith.constant 160 : index
      %get3A_44 = tpu.vector_load %arg6[%get3A_43] {strides = array<i32>} : memref<256xf32, #tpu.memory_space<vmem>>, vector<16xf32>,
      %get3A_45 = arith.constant 176 : index
      %get3A_46 = tpu.vector_load %arg6[%get3A_45] {strides = array<i32>} : memref<256xf32, #tpu.memory_space<vmem>>, vector<16xf32>,
      %get3A_47 = arith.constant 192 : index
      %get3A_48 = tpu.vector_load %arg6[%get3A_47] {strides = array<i32>} : memref<256xf32, #tpu.memory_space<vmem>>, vector<16xf32>,
      %get3A_49 = arith.constant 208 : index
      %get3A_50 = tpu.vector_load %arg6[%get3A_49] {strides = array<i32>} : memref<256xf32, #tpu.memory_space<vmem>>, vector<16xf32>,
      %get3A_51 = arith.constant 224 : index
      %get3A_52 = tpu.vector_load %arg6[%get3A_51] {strides = array<i32>} : memref<256xf32, #tpu.memory_space<vmem>>, vector<16xf32>,
      %get3A_53 = arith.constant 240 : index
      %get3A_54 = tpu.vector_load %arg6[%get3A_53] {strides = array<i32>} : memref<256xf32, #tpu.memory_space<vmem>>, vector<16xf32>,
      %add3A_55 = arith.addf %get3A_24, %get3A_26 : vector<16xf32>
      %add3A_56 = arith.addf %get3A_28, %get3A_30 : vector<16xf32>
      %add3A_57 = arith.addf %get3A_32, %get3A_34 : vector<16xf32>
      %add3A_58 = arith.addf %get3A_36, %get3A_38 : vector<16xf32>
      %add3A_59 = arith.addf %get3A_40, %get3A_42 : vector<16xf32>
      %add3A_60 = arith.addf %get3A_44, %get3A_46 : vector<16xf32>
      %add3A_61 = arith.addf %get3A_48, %get3A_50 : vector<16xf32>
      %add3A_62 = arith.addf %get3A_52, %get3A_54 : vector<16xf32>
      %add3A_63 = arith.addf %add3A_55, %add3A_56 : vector<16xf32>
      %add3A_64 = arith.addf %add3A_57, %add3A_58 : vector<16xf32>
      %add3A_65 = arith.addf %add3A_59, %add3A_60 : vector<16xf32>
      %add3A_66 = arith.addf %add3A_61, %add3A_62 : vector<16xf32>
      %add3A_67 = arith.addf %add3A_63, %add3A_64 : vector<16xf32>
      %add3A_68 = arith.addf %add3A_65, %add3A_66 : vector<16xf32>
      %add3A_69 = arith.addf %add3A_67, %add3A_68 : vector<16xf32>
      %xor3A = arith.constant 8 : i32
      %xor3A_70 = vector.broadcast %xor3A : i32 to vector<16xi32>
      %xor3A_71 = arith.xori %iota3A, %xor3A_70 : vector<16xi32>
      %broadcast_in_dim3A_72 = vector.shape_cast %xor3A_71 : vector<16xi32> to vector<16x1xi32>
      %gather3A = vector.shape_cast %broadcast_in_dim3A_72 : vector<16x1xi32> to vector<16xi32>
      %gather3A_73 = tpu.dynamic_gather %add3A_69[%gather3A] in [0] : vector<16xf32>, vector<16xi32> -> vector<16xf32>
      %add3A_74 = arith.addf %add3A_69, %gather3A_73 : vector<16xf32>
      %xor3A_75 = arith.constant 4 : i32
      %xor3A_76 = vector.broadcast %xor3A_75 : i32 to vector<16xi32>
      %xor3A_77 = arith.xori %iota3A, %xor3A_76 : vector<16xi32>
      %broadcast_in_dim3A_78 = vector.shape_cast %xor3A_77 : vector<16xi32> to vector<16x1xi32>
      %gather3A_79 = vector.shape_cast %broadcast_in_dim3A_78 : vector<16x1xi32> to vector<16xi32>
      %gather3A_80 = tpu.dynamic_gather %add3A_74[%gather3A_79] in [0] : vector<16xf32>, vector<16xi32> -> vector<16xf32>
      %add3A_81 = arith.addf %add3A_74, %gather3A_80 : vector<16xf32>
      %xor3A_82 = arith.constant 2 : i32
      %xor3A_83 = vector.broadcast %xor3A_82 : i32 to vector<16xi32>
      %xor3A_84 = arith.xori %iota3A, %xor3A_83 : vector<16xi32>
      %broadcast_in_dim3A_85 = vector.shape_cast %xor3A_84 : vector<16xi32> to vector<16x1xi32>
      %gather3A_86 = vector.shape_cast %broadcast_in_dim3A_85 : vector<16x1xi32> to vector<16xi32>
      %gather3A_87 = tpu.dynamic_gather %add3A_81[%gather3A_86] in [0] : vector<16xf32>, vector<16xi32> -> vector<16xf32>
      %add3A_88 = arith.addf %add3A_81, %gather3A_87 : vector<16xf32>
      %xor3A_89 = arith.constant 1 : i32
      %xor3A_90 = vector.broadcast %xor3A_89 : i32 to vector<16xi32>
      %xor3A_91 = arith.xori %iota3A, %xor3A_90 : vector<16xi32>
      %broadcast_in_dim3A_92 = vector.shape_cast %xor3A_91 : vector<16xi32> to vector<16x1xi32>
      %gather3A_93 = vector.shape_cast %broadcast_in_dim3A_92 : vector<16x1xi32> to vector<16xi32>
      %gather3A_94 = tpu.dynamic_gather %add3A_88[%gather3A_93] in [0] : vector<16xf32>, vector<16xi32> -> vector<16xf32>
      %add3A_95 = arith.addf %add3A_88, %gather3A_94 : vector<16xf32>
      %div3A = arith.constant 1.000000e+00 : f32
      %div3A_96 = vector.broadcast %div3A : f32 to vector<16xf32>
      %div3A_97 = arith.divf %div3A_96, %add3A_95 : vector<16xf32>
      %parallel_loop3A_98 = arith.constant 0 : i32
      %parallel_loop3A_99 = arith.constant 128 : i32
      %parallel_loop3A_100 = arith.constant 1 : i32
      %parallel_loop3A_101:4 = scf.for %parallel_loop3A_102 = %parallel_loop3A_98 to %parallel_loop3A_99 step %parallel_loop3A_100 iter_args(%parallel_loop3A_103 = %broadcast_in_dim3A_1, %parallel_loop3A_104 = %broadcast_in_dim3A_1, %parallel_loop3A_105 = %broadcast_in_dim3A_1, %parallel_loop3A_106 = %broadcast_in_dim3A_1) -> (vector<16xf32>, vector<16xf32>, vector<16xf32>, vector<16xf32>)  : i32 {
        %parallel_loop3A_107 = arith.constant 16 : i32
        %parallel_loop3A_108 = arith.muli %parallel_loop3A_102, %parallel_loop3A_107 : i32
        %parallel_loop3A_109 = arith.index_cast %parallel_loop3A_108 : i32 to index
        %parallel_loop3A_110 = tpu.vector_load %arg4[%parallel_loop3A_109] {strides = array<i32>} : memref<2048xf32, #tpu.memory_space<vmem>>, vector<16xf32>,
        %parallel_loop3A_111 = arith.mulf %parallel_loop3A_110, %div3A_97 : vector<16xf32>
        %parallel_loop3A_112 = arith.index_cast %parallel_loop3A_108 : i32 to index
        %parallel_loop3A_113 = tpu.vector_load %arg5[%parallel_loop3A_112] {strides = array<i32>} : memref<2048xf32, #tpu.memory_space<vmem>>, vector<16xf32>,
        %parallel_loop3A_114 = arith.addf %parallel_loop3A_113, %parallel_loop3A_111 : vector<16xf32>
        %parallel_loop3A_115 = arith.index_cast %parallel_loop3A_108 : i32 to index
        %parallel_loop3A_116 = tpu.vector_load %arg5[%parallel_loop3A_115] {strides = array<i32>} : memref<2048xf32, #tpu.memory_space<vmem>>, vector<16xf32>,
        tpu.vector_store %arg5[%parallel_loop3A_115], %parallel_loop3A_114 {strides = array<i32>} : memref<2048xf32, #tpu.memory_space<vmem>>, vector<16xf32>,
        %parallel_loop3A_117 = arith.constant 1.000000e+00 : f32
        %parallel_loop3A_118 = vector.broadcast %parallel_loop3A_117 : f32 to vector<16xf32>
        %parallel_loop3A_119 = arith.subf %parallel_loop3A_118, %parallel_loop3A_111 : vector<16xf32>
        %parallel_loop3A_120 = arith.constant 1.17549435E-38 : f32
        %parallel_loop3A_121 = vector.broadcast %parallel_loop3A_120 : f32 to vector<16xf32>
        %parallel_loop3A_122 = arith.maximumf %parallel_loop3A_119, %parallel_loop3A_121 : vector<16xf32>
        %parallel_loop3A_123 = arith.mulf %parallel_loop3A_111, %parallel_loop3A_122 : vector<16xf32>
        %parallel_loop3A_124 = arith.index_cast %parallel_loop3A_108 : i32 to index
        %parallel_loop3A_125 = tpu.vector_load %arg4[%parallel_loop3A_124] {strides = array<i32>} : memref<2048xf32, #tpu.memory_space<vmem>>, vector<16xf32>,
        tpu.vector_store %arg4[%parallel_loop3A_124], %parallel_loop3A_123 {strides = array<i32>} : memref<2048xf32, #tpu.memory_space<vmem>>, vector<16xf32>,
        %parallel_loop3A_126 = arith.addf %parallel_loop3A_103, %parallel_loop3A_123 : vector<16xf32>
        scf.yield %parallel_loop3A_104, %parallel_loop3A_105, %parallel_loop3A_106, %parallel_loop3A_126 : vector<16xf32>, vector<16xf32>, vector<16xf32>, vector<16xf32>
      } {sc.loop_unroll_factor = 8 : i64, sc.parallel_access}
      scf.yield %parallel_loop3A_101#0, %parallel_loop3A_101#1, %parallel_loop3A_101#2, %parallel_loop3A_101#3 : vector<16xf32>, vector<16xf32>, vector<16xf32>, vector<16xf32>
    }
    %scan3A_9 = arith.constant 64 : i32
    "tpu.region"() ({
      %run_scoped3A = tpu.sem_alloc : memref<!tpu.dma_semaphore, #tpu.memory_space<semaphore_mem>>
      %dma_start3A = tpu.memref_slice %arg3[%mul3A_0] : memref<32768xf32, #tpu.memory_space<hbm>> -> memref<2048xf32, #tpu.memory_space<hbm>>
      %dma_start3A_10 = tpu.memref_slice %arg3[%mul3A_0] : memref<32768xf32, #tpu.memory_space<hbm>> -> memref<2048xf32, #tpu.memory_space<hbm>>
      tpu.enqueue_dma source(%arg5 : memref<2048xf32, #tpu.memory_space<vmem>>) target(%dma_start3A_10 : memref<2048xf32, #tpu.memory_space<hbm>>) target_semaphore(%run_scoped3A : memref<!tpu.dma_semaphore, #tpu.memory_space<semaphore_mem>>)
      %dma_wait3A = tpu.memref_slice %arg3[%mul3A_0] : memref<32768xf32, #tpu.memory_space<hbm>> -> memref<2048xf32, #tpu.memory_space<hbm>>
      %dma_wait3A_11 = tpu.memref_slice %arg3[%mul3A_0] : memref<32768xf32, #tpu.memory_space<hbm>> -> memref<2048xf32, #tpu.memory_space<hbm>>
      tpu.wait_dma2 semaphore(%run_scoped3A : memref<!tpu.dma_semaphore, #tpu.memory_space<semaphore_mem>>) src(%arg5 : memref<2048xf32, #tpu.memory_space<vmem>>) dst(%dma_wait3A_11 : memref<2048xf32, #tpu.memory_space<hbm>>)
      tpu.yield
    }) : () -> ()
    return
  }
}

</mosaic_0001>

<sc_bundles>
// kernel: kernel.3.cloned.1.call-start
scs
__scs_entry_jumppad:
0x0: {  	(pc) =	sbr.rel $0x88, $3  }
0x1: {  	(tag) =	ssettag $0x0;
	lr =	simm.s32 $0x1  }
0x2: {  	[smem:$0x3FA0] =	sst lr;
	_ =	strace $0xD0000000  }
0x3: {  	_ = 	snop  }
0x4: {  	_ = 	snop  }
0x5: {  	_ = 	snop  }
0x6: {  	_ = 	snop  }
0x7: {  	_ = 	snop  }
__scs_overlays_trampoline_lowered:
0x8: {  	[smem:$0x3FAF] =	sst s0  }
0x9: {  	[smem:$0x3FB0] =	sst s1  }
0xa: {  	[smem:$0x3FB1] =	sst s2  }
0xb: {  	[smem:$0x3FB2] =	sst s3  }
0xc: {  	[smem:$0x3FB3] =	sst s4  }
0xd: {  	[smem:$0x3FB4] =	sst s5  }
0xe: {  	[smem:$0x3FB5] =	sst s6  }
0xf: {  	[smem:$0x3FB6] =	sst s7  }
0x10: {  	[smem:$0x3FB7] =	sst s8  }
0x11: {  	[smem:$0x3FB8] =	sst s9;
	s0 =	simm.s32 @!p0 $0x0  }
0x12: {  	s1 =	sld [smem:$0x3F9E];
	s0 =	simm.s32 @p0 $0x1  }
0x13: {  	[smem:$0x3FB9] =	sst s0;
	s0 =	simm.s32 @!p1 $0x0  }
0x14: {  	s2 =	sld [smem:$0x3F9D];
	s0 =	simm.s32 @p1 $0x1  }
0x15: {  	[smem:$0x3FBA] =	sst s0;
	s0 =	simm.s32 @!p2 $0x0  }
0x16: {  	s3 =	sld [smem:$0x3FDB];
	s0 =	simm.s32 @p2 $0x1  }
0x17: {  	s4 =	simm.s32 $0x1BF5;
	[smem:$0x3FBC] =	sst s0  }
0x18: {  	s0 =	sld [smem:$0x3F9F];
	_ =	swait.ge [sflag:s4], $0x0  }
0x19: {  	s7 =	sld [smem:$0x3FA0]  }
0x1a: {  	s8 =	sadd.s32 $0xFFFFE003, lr  }
0x1b: {  	s9 =	sadd.s32 $0xFFFFFEF7, lr;
	s5 =	simm.s32 $0xFFFFFFFF;
	p2 =	slt.u32 s8, $0xFFFFF086  }
0x1c: {  	p1 =	slt.u32 s9, $0xF7A;
	s5 =	simm.s32 @!p2 $0x0  }
0x1d: {  	s5 =	simm.s32 @p1 $0x1;
	p0 =	seq.s32 s7, s2  }
0x1e: {  	s7 =	smul.u32 @!p0 $0xF7A, s2;
	p2 =	seq.s32 @!p0 s5, $0x0  }
0x1f: {  	s9 =	smul.u32 $0xF7A, s1;
	s8 =	simm.s32 @!p0 $0x1BF5;
	p2 =	por !p2, p0  }
0x20: {  	[sflag:s8] =	ssyncset.s32 @!p0 $0xFFFFF086;
	s6 =	sadd.s32 @!p0 s3, s7;
	s7 =	simm.s32 @!p0 $0x108  }
0x21: {  	s3 =	sadd.s32 s3, s9;
	s6 =	sadd.s32 @!p0 $0x88, s6;
	s7 =	simm.s32 @p2 $0x1082  }
0x22: {  	[simem:s7], [sflag:s8] =	dma.local @!p0 [hbm:s6], $0xF7A  }
0x23: {  	s9 =	sor.u32 $0xD0000000, s2;
	s6 =	simm.s32 $0x108;
	_ =	swait.ge @!p0 [sflag:s8], $0x0  }
0x24: {  	s3 =	sadd.s32 $0x88, s3;
	s6 =	simm.s32 @!p1 $0x1082;
	[sflag:s4] =	ssyncset.s32 $0xFFFFF086  }
0x25: {  	[simem:s6], [sflag:s4] =	dma.local [hbm:s3], $0xF7A  }
0x26: {  	[smem:$0x3FA0] =	sst s1;
	(tag) =	ssettag s2;
	_ =	strace s9  }
0x27: {  	s1 =	sld [smem:$0x3FB0]  }
0x28: {  	s2 =	sld [smem:$0x3FB1]  }
0x29: {  	s4 =	sld [smem:$0x3FB3]  }
0x2a: {  	p0 =	seq.s32 s5, $0x0;
	s5 =	sld [smem:$0x3FB4]  }
0x2b: {  	s6 =	sld [smem:$0x3FB5]  }
0x2c: {  	s7 =	sld [smem:$0x3FB6]  }
0x2d: {  	s3 =	simm.s32 $0x108;
	s8 =	sld [smem:$0x3FB7]  }
0x2e: {  	s3 =	simm.s32 @!p0 $0x1082;
	s9 =	sld [smem:$0x3FB8]  }
0x2f: {  	lr =	sadd.s32 s0, s3;
	s0 =	sld [smem:$0x3FAF]  }
0x30: {  	s3 =	sld [smem:$0x3FB2]  }
0x31: {  	[smem:$0x3FBB] =	sst s10  }
0x32: {  	s10 =	sld [smem:$0x3FB9];
	_ =	sdelay $0x3  }
0x33: {  	p0 =	seq.s32 s10, $0x1;
	s10 =	sld [smem:$0x3FBB];
	_ =	sdelay $0x3  }
0x34: {  	[smem:$0x3FBB] =	sst s10  }
0x35: {  	s10 =	sld [smem:$0x3FBA];
	_ =	sdelay $0x3  }
0x36: {  	p1 =	seq.s32 s10, $0x1;
	s10 =	sld [smem:$0x3FBB];
	_ =	sdelay $0x3  }
0x37: {  	[smem:$0x3FBB] =	sst s10  }
0x38: {  	s10 =	sld [smem:$0x3FBC]  }
0x39: {  	_ = 	snop;
	(pc) =	sbr.ind lr, $3  }
0x3a: {  	_ = 	snop  }
0x3b: {  	_ = 	snop  }
0x3c: {  	p2 =	seq.s32 s10, $0x1;
	s10 =	sld [smem:$0x3FBB]  }
0x3d: {  	_ =	shalt  }
0x3e: {  	_ =	shalt  }
0x3f: {  	_ =	shalt  }
0x40: {  	_ =	shalt  }
0x41: {  	_ =	shalt  }
0x42: {  	_ =	shalt  }
0x43: {  	_ =	shalt  }
0x44: {  	_ =	shalt  }
0x45: {  	_ =	shalt  }
0x46: {  	_ =	shalt  }
0x47: {  	_ =	shalt  }
0x48: {  	_ =	shalt  }
0x49: {  	_ =	shalt  }
0x4a: {  	_ =	shalt  }
0x4b: {  	_ =	shalt  }
0x4c: {  	_ =	shalt  }
0x4d: {  	_ =	shalt  }
0x4e: {  	_ =	shalt  }
0x4f: {  	_ =	shalt  }
0x50: {  	_ =	shalt  }
0x51: {  	_ =	shalt  }
0x52: {  	_ =	shalt  }
0x53: {  	_ =	shalt  }
0x54: {  	_ =	shalt  }
0x55: {  	_ =	shalt  }
0x56: {  	_ =	shalt  }
0x57: {  	_ =	shalt  }
0x58: {  	_ =	shalt  }
0x59: {  	_ =	shalt  }
0x5a: {  	_ =	shalt  }
0x5b: {  	_ =	shalt  }
0x5c: {  	_ =	shalt  }
0x5d: {  	_ =	shalt  }
0x5e: {  	_ =	shalt  }
0x5f: {  	_ =	shalt  }
0x60: {  	_ =	shalt  }
0x61: {  	_ =	shalt  }
0x62: {  	_ =	shalt  }
0x63: {  	_ =	shalt  }
0x64: {  	_ =	shalt  }
0x65: {  	_ =	shalt  }
0x66: {  	_ =	shalt  }
0x67: {  	_ =	shalt  }
0x68: {  	_ =	shalt  }
0x69: {  	_ =	shalt  }
0x6a: {  	_ =	shalt  }
0x6b: {  	_ =	shalt  }
0x6c: {  	_ =	shalt  }
0x6d: {  	_ =	shalt  }
0x6e: {  	_ =	shalt  }
0x6f: {  	_ =	shalt  }
0x70: {  	_ =	shalt  }
0x71: {  	_ =	shalt  }
0x72: {  	_ =	shalt  }
0x73: {  	_ =	shalt  }
0x74: {  	_ =	shalt  }
0x75: {  	_ =	shalt  }
0x76: {  	_ =	shalt  }
0x77: {  	_ =	shalt  }
0x78: {  	_ =	shalt  }
0x79: {  	_ =	shalt  }
0x7a: {  	_ =	shalt  }
0x7b: {  	_ =	shalt  }
0x7c: {  	_ =	shalt  }
0x7d: {  	_ =	shalt  }
0x7e: {  	_ =	shalt  }
0x7f: {  	_ =	shalt  }
0x80: {  	_ =	shalt  }
0x81: {  	_ =	shalt  }
0x82: {  	_ =	shalt  }
0x83: {  	_ =	shalt  }
0x84: {  	_ =	shalt  }
0x85: {  	_ =	shalt  }
0x86: {  	_ =	shalt  }
0x87: {  	_ =	shalt  }
.Lfunc_end0:
.L_simem_size_0:
called_computation_lowered:
.L_overlay_start_0:
0x88: {  	s0 =	sld [smem:$0x3FD9]  }
0x89: {  	s1 =	sld [smem:$0x3FFE];
	_ =	sdelay $0x3  }
0x8a: {  	s0 =	sadd.s32 s1, s0  }
0x8b: {  	[smem:$0x3FC7] =	sst s0  }
0x8c: {  	_ = 	snop  }
0x8d: {  	s0 =	sld [smem:$0x3FC9]  }
0x8e: {  	s17 =	sld [smem:$0x3FD0];
	(tm) =	ssettm $0x1  }
0x8f: {  	s2 =	sld [smem:$0x3FFB];
	_ =	sdelay $0x3  }
0x90: {  	_ =	strace s2  }
0x91: {  	s2 =	sld [smem:$0x3FFC];
	_ =	sdelay $0x3  }
0x92: {  	_ =	strace s2  }
0x93: {  	s2 =	sld [smem:$0x3FFD];
	_ =	sdelay $0x3  }
0x94: {  	_ =	strace s2  }
0x95: {  	_ =	strace $0x8FFFFFFF  }
0x96: {  	s18 =	sld [smem:$0x3FDB];
	_ =	sdelay $0x1  }
0x97: {  	s3 =	simm.s32 $_scs_section_size  }
0x98: {  	s4 =	simm.s32 $_size__tile_overlayer_lowered;
	s5 =	simm.s32 $_tile_overlayer_lowered  }
0x99: {  	s21 =	simm.s32 $0x1BFF;
	s20 =	sshll.u32 s5, $0x1;
	s2 =	sadd.s32 s3, s18  }
0x9a: {  	s6 =	simm.s32 $0x0;
	s19 =	sshll.u32 s4, $0x1;
	s4 =	sadd.s32 s20, s2  }
0x9b: {  	[timem:s6], [sflag:s21] =	dma.local [hbm:s4], s19  }
0x9c: {  	_ =	swait.ge [sflag:s21], s19  }
0x9d: {  	s3 =	ssub.s32 $0x0, s19;
	[sflag:s21] =	ssyncset.done $0x0  }
0x9e: {  	[sflag:s21] =	ssyncadd.s32 s3;
	_ =	sdelay $0x1  }
0x9f: {  	s22 =	simm.s32 $0x1B8B  }
0xa0: {  	_ =	swait.ge [sflag:s22], $0x1  }
0xa1: {  	[sflag:s22] =	ssyncset.done $0x0  }
0xa2: {  	s23 =	simm.s32 $0x1B8E;
	[sflag:s22] =	ssyncadd.s32 $0xFFFFFFFF  }
0xa3: {  	s24 =	simm.s32 $execute0_lowered;
	[smem:$0x3FD2] =	sst s23  }
0xa4: {  	s3 =	sshll.u32 s24, $0x1;
	_ =	strace $0x80000046;
	[dreg:$0x1] =	wrdreg $0xFFFFFFFF  }
0xa5: {  	s25 =	simm.s32 $_size_execute0_lowered;
	s2 =	sadd.s32 s2, s3;
	[dreg:$0x0] =	wrdreg $0x0  }
0xa6: {  	s3 =	sshll.u32 s25, $0x1;
	[dreg:$0x2] =	wrdreg s2  }
0xa7: {  	[dreg:$0x3] =	wrdreg s3  }
0xa8: {  	[dreg:$0x4] =	wrdreg $0xC0  }
0xa9: {  	_ =	task [dreg:s6], $0x5FFFF  }
0xaa: {  	[dreg:$0x1] =	wrdreg $0xFFFFFFFF  }
0xab: {  	[dreg:$0x0] =	wrdreg $0x60  }
0xac: {  	[dreg:$0x2] =	wrdreg s0  }
0xad: {  	[dreg:$0x3] =	wrdreg s17  }
0xae: {  	[dreg:$0x4] =	wrdreg $0x11800  }
0xaf: {  	[dreg:$0x5] =	wrdreg $0x9  }
0xb0: {  	_ =	task.clear_ibuf [dreg:s6], $0x6FFFF;
	_ =	strace $0x90000046  }
0xb1: {  	s26 =	simm.s32 $0x9;
	_ =	strace $0x80000048  }
0xb2: {  	_ =	swait.ge [sflag:s26], $0x1  }
0xb3: {  	[sflag:s26] =	ssyncadd.s32 $0xFFFFFFFF  }
0xb4: {  	_ =	strace $0x90000048  }
0xb5: {  	_ =	sfence  }
0xb6: {  	s28 =	sld [smem:$0x0];
	_ =	sdelay $0x1  }
0xb7: {  	s29 =	srdreg.scid  }
0xb8: {  	s30 =	sshll.u32 s29, $0xD;
	s31 =	sshrl.u32 s29, $0x2  }
0xb9: {  	s1 =	sand.u32 $0x1, s29;
	s2 =	sand.u32 $0x4000, s30;
	s0 =	sadd.s32 s31, s28  }
0xba: {  	s1 =	sor.u32 s2, s1;
	s0 =	sshll.u32 s0, $0x11  }
0xbb: {  	s0 =	sor.u32 s0, s1  }
0xbc: {  	s0 =	sadd.s32 $0x8F2B, s0  }
0xbd: {  	[sflag:s0] =	ssyncadd.remote.s32 $0x1  }
0xbe: {  	_ =	sfence.sel $0xFFFF  }
0xbf: {  	[dreg:$0x0] =	wrdreg $0xFFFFFFFF;
	(pc) =	sbr.abs _section_cstart, $3  }
0xc0: {  	[dreg:$0x1] =	wrdreg $0xFFFFFFFF  }
0xc1: {  	_ =	task.clear_ibuf [dreg:s6], $0x2FFFF;
	_ =	strace $0x9FFFFFFF  }
0xc2: {  	(tm) =	ssettm $0x7FFFFFFF  }
0xc3: {  	_ =	shalt  }
tec
execute0_lowered:
.L_overlay_start_1:
0x0: {  	(tag) =	ssettag $0x1  }
0x1: {  	s5 =	rddreg [dreg:$0x0]  }
0x2: {  	s2 =	rddreg [dreg:$0x1]  }
0x3: {  	s3 =	rddreg [dreg:$0x2]  }
0x4: {  	s0 =	rddreg [dreg:$0x3];
	s6 =	simm.s32 $0x0;
	s1 =	stileid.u32  }
0x5: {  	s7 =	simm.s32 $0x800;
	[smem:$0x7FF] =	sst s6;
	s4 =	sshll.u32 s1, $0x8  }
0x6: {  	s31 =	simm.s32 $0x1;
	_ =	strace $0x80000047;
	s5 =	sadd.s32 s5, s4  }
0x7: {  	[tilespmem:s7], [sflag:$0x1] =	stream.linear.gather [hbm4b:s5+s6], $0x800, $0x38;
	[tilespmem:$0x11A0] =	vst v63  }
0x8: {  	_ =	swait.ge [sflag:s31], $0x800  }
0x9: {  	[sflag:s31] =	ssyncset.done $0x0  }
0xa: {  	s5 =	simm.s32 $0x840;
	[sflag:s31] =	ssyncadd.s32 $0xFFFFF800  }
0xb: {  	v0 =	vld [tilespmem:s5+$0x0];
	_ =	sdelay $0x1  }
0xc: {  	v1 =	vld [tilespmem:s5+$0x10]  }
0xd: {  	v2 =	vld [tilespmem:s5+$0xFFFFFFC0];
	_ =	sdelay $0x1  }
0xe: {  	v3 =	vld [tilespmem:s5+$0xFFFFFFD0];
	v0 =	vmul.f32 $1.442695020e+00, v0;
	_ =	sdelay $0x1  }
0xf: {  	v1 =	vmul.f32 $1.442695020e+00, v1;
	(erf) = vpow2.f32 v0  }
0x10: {  	v4 =	vld [tilespmem:s5+$0xFFFFFFE0];
	v2 =	vmul.f32 $1.442695020e+00, v2  }
0x11: {  	v0 =	vld [tilespmem:s5+$0xFFFFFFF0];
	(erf) = vpow2.f32 v1  }
0x12: {  	v1 =	vmul.f32 $1.442695020e+00, v3;
	(erf) = vpow2.f32 v2  }
0x13: {  	v2 =	vld [tilespmem:s5+$0x20]  }
0x14: {  	(erf) = vpow2.f32 v1;
	v1 =	vld [tilespmem:s5+$0x30]  }
0x15: {  	s7 =	simm.s32 $0x8C0;
	v3 =	vmul.f32 $1.442695020e+00, v4  }
0x16: {  	v5 =	vld [tilespmem:s7+$0x10];
	v0 =	vmul.f32 $1.442695020e+00, v0  }
0x17: {  	(erf) = vpow2.f32 v3;
	v3 =	vld [tilespmem:s7+$0x0]  }
0x18: {  	s6 =	simm.s32 $0x40;
	v9 =	vld [tilespmem:s7+$0xFFFFFFE0];
	(erf) = vpow2.f32 v0;
	v0 =	vmul.f32 $1.442695020e+00, v2;
	v4 =	vpop (erf)  }
0x19: {  	v10 =	vld [tilespmem:s7+$0xFFFFFFF0];
	v2 =	vimm.f32 $0.0e+00;
	v1 =	vmul.f32 $1.442695020e+00, v1;
	[tilespmem:s6+$0x0] =	vst v4  }
0x1a: {  	(erf) = vpow2.f32 v0;
	v0 =	vld [tilespmem:s7+$0xFFFFFFC0];
	v6 =	vpop (erf);
	[tilespmem:s5+$0x0] =	vst v2  }
0x1b: {  	v7 =	vpop (erf);
	(erf) = vpow2.f32 v1;
	v1 =	vld [tilespmem:s7+$0xFFFFFFD0];
	[tilespmem:s6+$0x10] =	vst v6  }
0x1c: {  	v3 =	vmul.f32 $1.442695020e+00, v3;
	[tilespmem:s6+$0xFFFFFFC0] =	vst v7  }
0x1d: {  	v5 =	vmul.f32 $1.442695020e+00, v5;
	[tilespmem:s5+$0x10] =	vst v2  }
0x1e: {  	v12 =	vld [tilespmem:s7+$0x20];
	v10 =	vmul.f32 $1.442695020e+00, v10;
	v8 =	vpop (erf);
	(erf) = vpow2.f32 v3;
	[tilespmem:s5+$0xFFFFFFC0] =	vst v2  }
0x1f: {  	v13 =	vld [tilespmem:s7+$0x30];
	[tilespmem:s6+$0xFFFFFFD0] =	vst v8;
	(erf) = vpow2.f32 v5;
	v0 =	vmul.f32 $1.442695020e+00, v0  }
0x20: {  	v11 =	vpop (erf);
	v5 =	vmul.f32 $1.442695020e+00, v9;
	[tilespmem:s5+$0xFFFFFFD0] =	vst v2;
	v1 =	vmul.f32 $1.442695020e+00, v1  }
0x21: {  	v7 =	vadd.f32 v7, v2;
	v8 =	vadd.f32 v8, v2;
	[tilespmem:s6+$0xFFFFFFE0] =	vst v11;
	v3 =	vpop (erf);
	(erf) = vpow2.f32 v0  }
0x22: {  	v11 =	vadd.f32 v11, v2;
	[tilespmem:s5+$0xFFFFFFE0] =	vst v2;
	v63 =	vadd.f32 v3, v2;
	(erf) = vpow2.f32 v1  }
0x23: {  	[tilespmem:s6+$0xFFFFFFF0] =	vst v3;
	v3 =	vadd.f32 v4, v7;
	v7 =	vmul.f32 $1.442695020e+00, v12;
	v14 =	vpop (erf);
	(erf) = vpow2.f32 v5  }
0x24: {  	v4 =	vadd.f32 v6, v8;
	v6 =	vmul.f32 $1.442695020e+00, v13;
	[tilespmem:s5+$0xFFFFFFF0] =	vst v2;
	v5 =	vpop (erf);
	(erf) = vpow2.f32 v10  }
0x25: {  	s8 =	simm.s32 $0x8;
	s9 =	simm.s32 $0x940;
	v0 =	vadd.f32 v14, v11;
	[tilespmem:s6+$0x20] =	vst v14;
	v1 =	vadd.f32 v5, v63;
	(erf) = vpow2.f32 v7  }
.LBB2_1:
0x26: {  	v7 =	vld [tilespmem:s9+$0x0];
	(erf) = vpow2.f32 v6;
	[tilespmem:s5+$0x20] =	vst v2  }
0x27: {  	v6 =	vld [tilespmem:s9+$0x10];
	[tilespmem:s6+$0x30] =	vst v5  }
0x28: {  	s6 =	sadd.s32 $0x80, s6;
	v5 =	vld [tilespmem:s9+$0xFFFFFFC0];
	v8 =	vpop (erf);
	[tilespmem:s5+$0x30] =	vst v2;
	s5 =	smov.u32 s7;
	s7 =	smov.u32 s9  }
0x29: {  	v9 =	vld [tilespmem:s9+$0xFFFFFFD0];
	[tilespmem:s6+$0x0] =	vst v8;
	v10 =	vpop (erf)  }
0x2a: {  	[tilespmem:s5+$0x0] =	vst v2;
	v11 =	vpop (erf)  }
0x2b: {  	[tilespmem:s6+$0xFFFFFFC0] =	vst v11;
	v12 =	vpop (erf)  }
0x2c: {  	v7 =	vmul.f32 $1.442695020e+00, v7;
	v13 =	vld [tilespmem:s9+$0xFFFFFFE0];
	v6 =	vmul.f32 $1.442695020e+00, v6;
	[tilespmem:s5+$0xFFFFFFC0] =	vst v2;
	v14 =	vpop (erf)  }
0x2d: {  	s8 =	sadd.s32 $0x8, s8;
	v3 =	vadd.f32 v11, v3;
	v4 =	vadd.f32 v12, v4;
	v15 =	vmul.f32 $1.442695020e+00, v5;
	v16 =	vld [tilespmem:s9+$0xFFFFFFF0];
	[tilespmem:s6+$0xFFFFFFD0] =	vst v12;
	v11 =	vpop (erf)  }
0x2e: {  	p0 =	slt.u32 s8, $0x78;
	v0 =	vadd.f32 v14, v0;
	v9 =	vmul.f32 $1.442695020e+00, v9;
	v12 =	vld [tilespmem:s9+$0x20];
	[tilespmem:s5+$0xFFFFFFD0] =	vst v2;
	v1 =	vadd.f32 v11, v1;
	v17 =	vpop (erf)  }
0x2f: {  	v3 =	vadd.f32 v8, v3;
	v4 =	vadd.f32 v10, v4;
	v18 =	vld [tilespmem:s9+$0x30];
	(erf) = vpow2.f32 v7;
	[tilespmem:s6+$0xFFFFFFE0] =	vst v14;
	v5 =	vpop (erf)  }
0x30: {  	v0 =	vadd.f32 v17, v0;
	(erf) = vpow2.f32 v6;
	[tilespmem:s5+$0xFFFFFFE0] =	vst v2;
	v1 =	vadd.f32 v5, v1  }
.Ltmp0:
0x31: {  	v6 =	vmul.f32 $1.442695020e+00, v13;
	(erf) = vpow2.f32 v15;
	[tilespmem:s6+$0xFFFFFFF0] =	vst v11;
	(pc) =	sbr.rel @p0 .LBB2_1-.Ltmp0, $4  }
0x32: {  	v7 =	vmul.f32 $1.442695020e+00, v16;
	(erf) = vpow2.f32 v9;
	[tilespmem:s5+$0xFFFFFFF0] =	vst v2  }
0x33: {  	v8 =	vmul.f32 $1.442695020e+00, v12;
	(erf) = vpow2.f32 v6;
	[tilespmem:s6+$0x10] =	vst v10  }
0x34: {  	v6 =	vmul.f32 $1.442695020e+00, v18;
	(erf) = vpow2.f32 v7;
	[tilespmem:s5+$0x10] =	vst v2  }
0x35: {  	s9 =	sadd.s32 $0x80, s9;
	(erf) = vpow2.f32 v8;
	[tilespmem:s6+$0x20] =	vst v17  }
0x36: {  	[tilespmem:s5+$0x20] =	vst v2  }
0x37: {  	[tilespmem:s6+$0x30] =	vst v5  }
0x38: {  	s30 =	sadd.s32 $0x80, s6;
	[tilespmem:s5+$0x30] =	vst v2;
	v7 =	vpop (erf)  }
0x39: {  	v8 =	vpop (erf);
	[tilespmem:s30+$0x0] =	vst v7  }
0x3a: {  	[tilespmem:s30+$0x10] =	vst v8  }
0x3b: {  	v5 =	vpop (erf);
	[tilespmem:s7+$0x0] =	vst v2  }
0x3c: {  	v10 =	vimm.s32 $0xFEDCBA98;
	v61 =	vimm.s32 $0xDCFE98BA;
	[tilespmem:s30+$0xFFFFFFC0] =	vst v5  }
0x3d: {  	v12 =	vimm.s32 $0x67452301;
	v10 =	vunpack.c.l.s4.s8 v10;
	(erf) = vpow2.f32 v6;
	[tilespmem:s7+$0x10] =	vst v2  }
0x3e: {  	v62 =	vimm.s32 $0x54761032;
	v63 =	vimm.s32 $0xEFCDAB89;
	v12 =	vunpack.c.l.s4.s8 v12;
	v9 =	vpop (erf);
	[tilespmem:s7+$0xFFFFFFC0] =	vst v2  }
0x3f: {  	v10 =	vunpack.c.0.s8.s32 v10;
	v3 =	vadd.f32 v5, v3;
	v5 =	vimm.s32 $0x76543210;
	[tilespmem:s30+$0xFFFFFFD0] =	vst v9;
	v6 =	vpop (erf)  }
0x40: {  	v4 =	vadd.f32 v9, v4;
	v9 =	vunpack.c.l.s4.s8 v62;
	[tilespmem:s7+$0xFFFFFFD0] =	vst v2;
	v0 =	vadd.f32 v6, v0  }
0x41: {  	[tilespmem:s30+$0xFFFFFFE0] =	vst v6;
	v60 =	vpop (erf);
	v6 =	vunpack.c.l.s4.s8 v5;
	v5 =	vadd.f32 v7, v3;
	v3 =	vand.u32 $0xF, v10  }
0x42: {  	v7 =	vimm.s32 $0x32107654;
	v10 =	vunpack.c.l.s4.s8 v63;
	[tilespmem:s7+$0xFFFFFFE0] =	vst v2;
	v11 =	vadd.f32 v60, v1  }
0x43: {  	[tilespmem:s30+$0xFFFFFFF0] =	vst v60;
	v4 =	vadd.f32 v8, v4;
	v1 =	vunpack.c.0.s8.s32 v6;
	v6 =	vimm.s32 $0xBA98FEDC  }
0x44: {  	v7 =	vunpack.c.l.s4.s8 v7;
	v8 =	vunpack.c.l.s4.s8 v61;
	v13 =	vpop (erf);
	[tilespmem:s7+$0xFFFFFFF0] =	vst v2;
	v6 =	vunpack.c.l.s4.s8 v6  }
0x45: {  	v12 =	vunpack.c.0.s8.s32 v12;
	v9 =	vunpack.c.0.s8.s32 v9;
	[tilespmem:s30+$0x20] =	vst v13;
	v10 =	vunpack.c.0.s8.s32 v10  }
0x46: {  	v7 =	vunpack.c.0.s8.s32 v7;
	v8 =	vunpack.c.0.s8.s32 v8;
	[tilespmem:s7+$0x20] =	vst v2;
	v15 =	vpop (erf);
	v14 =	vunpack.c.0.s8.s32 v6  }
0x47: {  	s31 =	sshll.u32 s1, $0x6;
	s8 =	simm.s32 $0x1;
	s9 =	simm.s32 $0x1000;
	v6 =	vadd.f32 v13, v0;
	v0 =	vcombine.low v3, v1;
	[tilespmem:s30+$0x30] =	vst v15;
	v3 =	vcombine.low v12, v10  }
0x48: {  	s5 =	simm.s32 $0x0;
	s6 =	sshrl.u32 s31, $0x2;
	[tilespmem:s7+$0x30] =	vst v2;
	s7 =	simm.s32 $0x1100;
	v2 =	vcombine.low v9, v8;
	v1 =	vcombine.low v7, v14;
	v7 =	vadd.f32 v15, v11  }
.LBB2_3:
0x49: {  	_ = 	snop  }
0x4a: {  	v4 =	vadd.f32 v4, v5;
	v5 =	vadd.f32 v7, v6  }
0x4b: {  	s10 =	sshll.u32 s5, $0x8  }
0x4c: {  	s10 =	sand.u32 $0x100, s10;
	v4 =	vadd.f32 v5, v4  }
0x4d: {  	s10 =	sadd.s32 s10, s3  }
0x4e: {  	s11 =	sadd.s32 s6, s10;
	[tilespmem:$0x1100] =	vst v4  }
0x4f: {  	[spmem:s11] =	stream.linear.scatter [tilespmem:s7], [sflag:$0x1], $0x10, $0x38;
	[tilespmem:$0x11A0] =	vst v63  }
0x50: {  	_ =	swait.ge [sflag:s8], $0x10  }
0x51: {  	[sflag:s8] =	ssyncset.done $0x0  }
0x52: {  	[sflag:s8] =	ssyncadd.s32 $0xFFFFFFF0  }
0x53: {  	[bflag:$0x0] =	sbarrier.arrive $0xFFFF  }
0x54: {  	[tilespmem:s9], [sflag:$0x1] =	stream.linear.gather [spmem:s10], $0x100, $0x38;
	[tilespmem:$0x11A0] =	vst v63  }
0x55: {  	_ =	swait.ge [sflag:s8], $0x100  }
0x56: {  	[sflag:s8] =	ssyncset.done $0x0  }
0x57: {  	[sflag:s8] =	ssyncadd.s32 $0xFFFFFF00  }
0x58: {  	v4 =	vld [tilespmem:$0x1000]  }
0x59: {  	v5 =	vld [tilespmem:$0x1010]  }
0x5a: {  	v6 =	vld [tilespmem:$0x1020]  }
0x5b: {  	v7 =	vld [tilespmem:$0x1030]  }
0x5c: {  	v8 =	vld [tilespmem:$0x1040]  }
0x5d: {  	v9 =	vld [tilespmem:$0x1050]  }
0x5e: {  	v10 =	vld [tilespmem:$0x1060]  }
0x5f: {  	v11 =	vld [tilespmem:$0x1070]  }
0x60: {  	v12 =	vld [tilespmem:$0x1080]  }
0x61: {  	v13 =	vld [tilespmem:$0x1090]  }
0x62: {  	v14 =	vld [tilespmem:$0x10A0]  }
0x63: {  	v15 =	vld [tilespmem:$0x10B0]  }
0x64: {  	v16 =	vld [tilespmem:$0x10C0]  }
0x65: {  	v17 =	vld [tilespmem:$0x10D0]  }
0x66: {  	v18 =	vld [tilespmem:$0x10E0]  }
0x67: {  	v19 =	vld [tilespmem:$0x10F0];
	_ =	sdelay $0x1  }
0x68: {  	v4 =	vadd.f32 v5, v4;
	v5 =	vadd.f32 v7, v6  }
0x69: {  	v6 =	vadd.f32 v9, v8;
	v7 =	vadd.f32 v11, v10  }
0x6a: {  	v8 =	vadd.f32 v13, v12;
	v9 =	vadd.f32 v15, v14  }
0x6b: {  	v10 =	vadd.f32 v17, v16;
	v11 =	vadd.f32 v19, v18  }
0x6c: {  	v4 =	vadd.f32 v5, v4;
	v5 =	vadd.f32 v7, v6  }
0x6d: {  	v6 =	vadd.f32 v9, v8;
	v7 =	vadd.f32 v11, v10;
	_ =	sdelay $0x1  }
0x6e: {  	v4 =	vadd.f32 v5, v4;
	v5 =	vadd.f32 v7, v6;
	_ =	sdelay $0x1  }
0x6f: {  	v4 =	vadd.f32 v5, v4;
	_ =	sdelay $0x1  }
0x70: {  	v5 =	vperm.xlane v4, v0;
	_ =	sdelay $0x1  }
0x71: {  	v4 =	vadd.f32 v4, v5;
	_ =	sdelay $0x1  }
0x72: {  	v5 =	vperm.xlane v4, v1;
	_ =	sdelay $0x1  }
0x73: {  	v4 =	vadd.f32 v4, v5;
	_ =	sdelay $0x1  }
0x74: {  	v5 =	vperm.xlane v4, v2;
	_ =	sdelay $0x1  }
0x75: {  	v4 =	vadd.f32 v4, v5;
	_ =	sdelay $0x1  }
0x76: {  	v5 =	vperm.xlane v4, v3;
	_ =	sdelay $0x1  }
0x77: {  	s13 =	simm.s32 $0x840;
	v4 =	vadd.f32 v4, v5  }
0x78: {  	v21 =	vld [tilespmem:s13+$0x30]  }
0x79: {  	s12 =	simm.s32 $0x40;
	v22 =	vld [tilespmem:s13+$0xFFFFFFD0];
	(erf) = vrcp.f32 v4  }
0x7a: {  	v12 =	vld [tilespmem:s12+$0x30]  }
0x7b: {  	v13 =	vld [tilespmem:s12+$0x20]  }
0x7c: {  	v15 =	vld [tilespmem:s12+$0xFFFFFFE0]  }
0x7d: {  	v10 =	vld [tilespmem:s12+$0x0]  }
0x7e: {  	v5 =	vld [tilespmem:s12+$0xFFFFFFF0]  }
0x7f: {  	v16 =	vld [tilespmem:s12+$0xFFFFFFD0]  }
0x80: {  	v11 =	vld [tilespmem:s12+$0x10]  }
0x81: {  	v8 =	vld [tilespmem:s13+$0x20]  }
0x82: {  	v7 =	vld [tilespmem:s13+$0xFFFFFFE0];
	v4 =	vpop (erf)  }
0x83: {  	v6 =	vld [tilespmem:s13+$0x0];
	v14 =	vmul.f32 v5, v4;
	v10 =	vmul.f32 v10, v4  }
0x84: {  	v18 =	vld [tilespmem:s12+$0xFFFFFFC0];
	v13 =	vmul.f32 v13, v4;
	v23 =	vmul.f32 v12, v4  }
0x85: {  	v19 =	vld [tilespmem:s13+$0xFFFFFFC0];
	v12 =	vmul.f32 v11, v4;
	v15 =	vmul.f32 v15, v4;
	v17 =	vsub.f32 $1.000000000e+00, v14  }
0x86: {  	s10 =	simm.s32 $0xC0;
	v9 =	vld [tilespmem:s13+$0xFFFFFFF0];
	v16 =	vmul.f32 v16, v4;
	v20 =	vsub.f32 $1.000000000e+00, v10;
	v11 =	vsub.f32 $1.000000000e+00, v13  }
0x87: {  	v24 =	vld [tilespmem:s10+$0xFFFFFFF0];
	v8 =	vadd.f32 v13, v8;
	v7 =	vadd.f32 v15, v7;
	v17 =	vmax.f32 v17, $1.175494350e-38  }
0x88: {  	v30 =	vmul.f32 v17, v14;
	v17 =	vadd.f32 v10, v6;
	v6 =	vmax.f32 v20, $1.175494350e-38;
	v20 =	vld [tilespmem:s13+$0x10]  }
0x89: {  	v28 =	vld [tilespmem:s10+$0x30];
	v31 =	vmul.f32 v18, v4;
	v26 =	vsub.f32 $1.000000000e+00, v15;
	v22 =	vadd.f32 v16, v22;
	[tilespmem:s13+$0x20] =	vst v8  }
0x8a: {  	v34 =	vld [tilespmem:s10+$0xFFFFFFE0];
	v21 =	vadd.f32 v23, v21;
	[tilespmem:s13+$0x0] =	vst v17;
	v17 =	vsub.f32 $1.000000000e+00, v12  }
0x8b: {  	v5 =	vimm.f32 $0.0e+00;
	v18 =	vld [tilespmem:s10+$0x20];
	v32 =	vadd.f32 v14, v9;
	v19 =	vadd.f32 v31, v19;
	[tilespmem:s13+$0xFFFFFFE0] =	vst v7  }
0x8c: {  	v7 =	vmul.f32 v24, v4;
	v24 =	vmax.f32 v26, $1.175494350e-38;
	v26 =	vld [tilespmem:s10+$0x10];
	[tilespmem:s13+$0xFFFFFFD0] =	vst v22;
	v17 =	vmax.f32 v17, $1.175494350e-38  }
0x8d: {  	s11 =	simm.s32 $0x8C0;
	v25 =	vmax.f32 v11, $1.175494350e-38;
	[tilespmem:s13+$0x30] =	vst v21;
	v20 =	vadd.f32 v12, v20;
	v29 =	vmul.f32 v17, v12;
	v12 =	vld [tilespmem:s10+$0x0]  }
0x8e: {  	v27 =	vsub.f32 $1.000000000e+00, v16;
	v35 =	vsub.f32 $1.000000000e+00, v31;
	v11 =	vld [tilespmem:s11+$0x20];
	[tilespmem:s13+$0xFFFFFFC0] =	vst v19;
	v13 =	vmul.f32 v25, v13  }
0x8f: {  	[tilespmem:s13+$0xFFFFFFF0] =	vst v32;
	v25 =	vld [tilespmem:s11+$0x0];
	v15 =	vmul.f32 v24, v15;
	v6 =	vmul.f32 v6, v10;
	v24 =	vsub.f32 $1.000000000e+00, v7  }
0x90: {  	v8 =	vld [tilespmem:s11+$0xFFFFFFF0];
	v33 =	vadd.f32 v30, v5;
	v17 =	vmax.f32 v27, $1.175494350e-38;
	[tilespmem:s13+$0x10] =	vst v20;
	v20 =	vsub.f32 $1.000000000e+00, v23  }
0x91: {  	v10 =	vld [tilespmem:s11+$0xFFFFFFE0];
	[tilespmem:s12+$0xFFFFFFE0] =	vst v15;
	v15 =	vadd.f32 v15, v5;
	v9 =	vmax.f32 v24, $1.175494350e-38;
	v17 =	vmul.f32 v17, v16  }
0x92: {  	[tilespmem:s12+$0x20] =	vst v13;
	v24 =	vld [tilespmem:s11+$0xFFFFFFD0];
	v19 =	vmul.f32 v26, v4;
	v14 =	vmax.f32 v20, $1.175494350e-38;
	v22 =	vmul.f32 v12, v4  }
0x93: {  	[tilespmem:s12+$0xFFFFFFF0] =	vst v30;
	v26 =	vld [tilespmem:s11+$0x10];
	v21 =	vadd.f32 v17, v5;
	v12 =	vadd.f32 v13, v15;
	v15 =	vmul.f32 v14, v23  }
0x94: {  	[tilespmem:s12+$0x0] =	vst v6;
	v9 =	vmul.f32 v9, v7;
	v20 =	vld [tilespmem:s10+$0xFFFFFFD0];
	v27 =	vadd.f32 v22, v25;
	v25 =	vsub.f32 $1.000000000e+00, v22  }
0x95: {  	v16 =	vld [tilespmem:s10+$0xFFFFFFC0];
	[tilespmem:s12+$0xFFFFFFD0] =	vst v17;
	v13 =	vmul.f32 v28, v4;
	v23 =	vmul.f32 v18, v4;
	v17 =	vadd.f32 v15, v33  }
0x96: {  	v14 =	vld [tilespmem:s11+$0xFFFFFFC0];
	[tilespmem:s12+$0x30] =	vst v15;
	v15 =	vadd.f32 v29, v21;
	v28 =	vmax.f32 v25, $1.175494350e-38;
	v25 =	vmax.f32 v35, $1.175494350e-38  }
0x97: {  	s14 =	simm.s32 $0x140;
	s15 =	simm.s32 $0x8C0;
	s13 =	simm.s32 $0x8;
	[tilespmem:s12+$0x10] =	vst v29;
	v18 =	vld [tilespmem:s11+$0x30];
	v21 =	vmul.f32 v34, v4;
	v29 =	vsub.f32 $1.000000000e+00, v23;
	v25 =	vmul.f32 v25, v31  }
.LBB2_4:
0x98: {  	v30 =	vld [tilespmem:s14+$0xFFFFFFF0];
	s13 =	sadd.s32 $0x8, s13;
	[tilespmem:s11+$0x0] =	vst v27;
	v22 =	vmul.f32 v28, v22;
	v27 =	vsub.f32 $1.000000000e+00, v19;
	v28 =	vadd.f32 v23, v11;
	s15 =	sadd.s32 $0x80, s15  }
0x99: {  	v20 =	vmul.f32 v20, v4;
	p0 =	slt.u32 s13, $0x78;
	v31 =	vadd.f32 v21, v10;
	v10 =	vld [tilespmem:s15+$0xFFFFFFE0];
	v29 =	vmax.f32 v29, $1.175494350e-38;
	[tilespmem:s12+$0xFFFFFFC0] =	vst v25;
	s12 =	smov.u32 s10;
	s10 =	smov.u32 s14  }
0x9a: {  	v32 =	vsub.f32 $1.000000000e+00, v21;
	v5 =	vadd.f32 v25, v5;
	v11 =	vld [tilespmem:s15+$0x20];
	[tilespmem:s12+$0x0] =	vst v22;
	v23 =	vmul.f32 v29, v23  }
0x9b: {  	v29 =	vsub.f32 $1.000000000e+00, v20;
	v27 =	vmax.f32 v27, $1.175494350e-38;
	v25 =	vld [tilespmem:s15+$0x0];
	v24 =	vadd.f32 v20, v24;
	[tilespmem:s11+$0x20] =	vst v28  }
0x9c: {  	v5 =	vadd.f32 v6, v5;
	v28 =	vld [tilespmem:s15+$0xFFFFFFF0];
	[tilespmem:s11+$0xFFFFFFE0] =	vst v31;
	v26 =	vadd.f32 v19, v26;
	v31 =	vmul.f32 v27, v19  }
0x9d: {  	v6 =	vmovc v22;
	v29 =	vmax.f32 v29, $1.175494350e-38;
	v19 =	vmul.f32 v30, v4;
	v27 =	vld [tilespmem:s14+$0x0];
	v30 =	vmax.f32 v32, $1.175494350e-38;
	[tilespmem:s12+$0x20] =	vst v23  }
0x9e: {  	v18 =	vadd.f32 v13, v18;
	v22 =	vsub.f32 $1.000000000e+00, v13;
	v32 =	vld [tilespmem:s14+$0x10];
	v21 =	vmul.f32 v30, v21;
	[tilespmem:s11+$0x10] =	vst v26  }
0x9f: {  	v33 =	vmul.f32 v16, v4;
	v26 =	vsub.f32 $1.000000000e+00, v19;
	v30 =	vld [tilespmem:s14+$0x30];
	[tilespmem:s11+$0xFFFFFFD0] =	vst v24;
	v24 =	vmul.f32 v29, v20  }
0xa0: {  	v34 =	vadd.f32 v7, v8;
	v17 =	vadd.f32 v9, v17;
	v35 =	vmax.f32 v22, $1.175494350e-38;
	v7 =	vmovc v19;
	v29 =	vld [tilespmem:s14+$0x20];
	[tilespmem:s12+$0xFFFFFFE0] =	vst v21  }
0xa1: {  	v14 =	vadd.f32 v33, v14;
	v12 =	vadd.f32 v21, v12;
	v36 =	vld [tilespmem:s14+$0xFFFFFFE0];
	v16 =	vmax.f32 v26, $1.175494350e-38;
	[tilespmem:s12+$0xFFFFFFD0] =	vst v24;
	v8 =	vmovc v28  }
0xa2: {  	v21 =	vsub.f32 $1.000000000e+00, v33;
	v20 =	vld [tilespmem:s14+$0xFFFFFFD0];
	v37 =	vmul.f32 v16, v7;
	v22 =	vmul.f32 v27, v4;
	[tilespmem:s11+$0x30] =	vst v18  }
.Ltmp1:
0xa3: {  	v15 =	vadd.f32 v24, v15;
	v24 =	vmul.f32 v35, v13;
	v12 =	vadd.f32 v23, v12;
	v16 =	vld [tilespmem:s14+$0xFFFFFFC0];
	[tilespmem:s11+$0xFFFFFFC0] =	vst v14;
	(pc) =	sbr.rel @p0 .LBB2_4-.Ltmp1, $4  }
0xa4: {  	v14 =	vld [tilespmem:s15+$0xFFFFFFC0];
	v27 =	vadd.f32 v22, v25;
	v25 =	vsub.f32 $1.000000000e+00, v22;
	v13 =	vmul.f32 v30, v4;
	[tilespmem:s12+$0x10] =	vst v31  }
0xa5: {  	v19 =	vmul.f32 v32, v4;
	v17 =	vadd.f32 v24, v17;
	v23 =	vmul.f32 v29, v4;
	v18 =	vld [tilespmem:s15+$0x30];
	[tilespmem:s12+$0x30] =	vst v24  }
0xa6: {  	v15 =	vadd.f32 v31, v15;
	v24 =	vld [tilespmem:s15+$0xFFFFFFD0];
	v28 =	vmax.f32 v25, $1.175494350e-38;
	v25 =	vmax.f32 v21, $1.175494350e-38;
	[tilespmem:s11+$0xFFFFFFF0] =	vst v34;
	s11 =	smov.u32 s15  }
0xa7: {  	s14 =	sadd.s32 $0x80, s14;
	v21 =	vmul.f32 v36, v4;
	v26 =	vld [tilespmem:s15+$0x10];
	v29 =	vsub.f32 $1.000000000e+00, v23;
	v25 =	vmul.f32 v25, v33;
	[tilespmem:s12+$0xFFFFFFF0] =	vst v9;
	v9 =	vmovc v37  }
0xa8: {  	[tilespmem:s11+$0x0] =	vst v27;
	v22 =	vmul.f32 v28, v22  }
0xa9: {  	v11 =	vadd.f32 v23, v11;
	[tilespmem:s12+$0xFFFFFFC0] =	vst v25  }
0xaa: {  	v20 =	vmul.f32 v20, v4;
	v10 =	vadd.f32 v21, v10;
	v51 =	vmax.f32 v29, $1.175494350e-38;
	[tilespmem:s10+$0x0] =	vst v22  }
0xab: {  	v4 =	vmul.f32 v16, v4;
	v53 =	vmul.f32 v51, v23;
	[tilespmem:s11+$0x20] =	vst v11  }
0xac: {  	v60 =	vsub.f32 $1.000000000e+00, v13;
	v59 =	vadd.f32 v13, v18;
	[tilespmem:s11+$0xFFFFFFE0] =	vst v10  }
0xad: {  	v14 =	vadd.f32 v4, v14;
	[tilespmem:s10+$0x20] =	vst v53  }
0xae: {  	v5 =	vadd.f32 v25, v5;
	v18 =	vmax.f32 v60, $1.175494350e-38;
	v24 =	vadd.f32 v20, v24;
	[tilespmem:s11+$0x30] =	vst v59  }
0xaf: {  	v52 =	vsub.f32 $1.000000000e+00, v21;
	v54 =	vsub.f32 $1.000000000e+00, v20;
	v62 =	vmul.f32 v18, v13;
	[tilespmem:s11+$0xFFFFFFC0] =	vst v14  }
0xb0: {  	v5 =	vadd.f32 v6, v5;
	v6 =	vadd.f32 v7, v8;
	[tilespmem:s11+$0xFFFFFFD0] =	vst v24  }
0xb1: {  	v61 =	vsub.f32 $1.000000000e+00, v4;
	v56 =	vmax.f32 v52, $1.175494350e-38;
	v55 =	vadd.f32 v19, v26;
	[tilespmem:s10+$0x30] =	vst v62  }
0xb2: {  	v58 =	vsub.f32 $1.000000000e+00, v19;
	s5 =	sadd.s32 $0x1, s5;
	v57 =	vmul.f32 v56, v21;
	[tilespmem:s11+$0xFFFFFFF0] =	vst v6  }
0xb3: {  	p0 =	sne.s32 s5, $0x40;
	v11 =	vmax.f32 v54, $1.175494350e-38;
	v63 =	vmax.f32 v61, $1.175494350e-38;
	[tilespmem:s11+$0x10] =	vst v55  }
.Ltmp2:
0xb4: {  	v10 =	vmax.f32 v58, $1.175494350e-38;
	v11 =	vmul.f32 v11, v20;
	v8 =	vmul.f32 v63, v4;
	[tilespmem:s10+$0xFFFFFFE0] =	vst v57;
	(pc) =	sbr.rel @p0 .LBB2_3-.Ltmp2, $4  }
0xb5: {  	v10 =	vmul.f32 v10, v19;
	v4 =	vadd.f32 v9, v17;
	v7 =	vadd.f32 v57, v12;
	[tilespmem:s10+$0xFFFFFFF0] =	vst v9  }
0xb6: {  	[tilespmem:s10+$0xFFFFFFD0] =	vst v11;
	v11 =	vadd.f32 v11, v15;
	v5 =	vadd.f32 v8, v5  }
0xb7: {  	[tilespmem:s10+$0x10] =	vst v10;
	v6 =	vadd.f32 v53, v7;
	v7 =	vadd.f32 v62, v4  }
0xb8: {  	[tilespmem:s10+$0xFFFFFFC0] =	vst v8;
	v4 =	vadd.f32 v10, v11;
	v5 =	vadd.f32 v22, v5  }
0xb9: {  	s2 =	sadd.s32 s2, s4  }
0xba: {  	s3 =	simm.s32 $0x0;
	s30 =	simm.s32 $0x800;
	s31 =	simm.s32 $0x1  }
0xbb: {  	[hbm4b:s2+s3] =	stream.linear.scatter [tilespmem:s30], [sflag:$0x1], $0x800, $0x38;
	[tilespmem:$0x11A0] =	vst v63  }
0xbc: {  	_ =	swait.ge [sflag:s31], $0x800  }
0xbd: {  	[sflag:s31] =	ssyncset.done $0x0  }
0xbe: {  	[sflag:s31] =	ssyncadd.s32 $0xFFFFF800  }
0xbf: {  	_ =	sfence.sel $0x180000  }
0xc0: {  	[bflag:$0x0] =	sbarrier.arrive $0xFFFF  }
0xc1: {  	p0 =	sne.s32 s1, $0x0;
	_ =	strace $0x90000047  }
0xc2: {  	s0 =	sadd.s32 @!p0 $0x100000, s0;
	[bflag:$0x2] =	sbarrier.arrive $0xFFFF  }
0xc3: {  	[sflag:s0] =	ssyncadd.tile.s32 @!p0 $0x1;
	_ =	shalt  }
.Lfunc_end2:
_tile_overlayer_lowered:
.L_overlay_start_2:
0xc4: {  	(tag) =	ssettag $0x2  }
0xc5: {  	s0 =	rddreg [dreg:$0x0];
	s2 =	stileid.u32  }
0xc6: {  	s1 =	rddreg [dreg:$0x1];
	p0 =	sne.s32 s2, $0x0  }
0xc7: {  	s3 =	rddreg [dreg:$0x2];
	[bflag:$0x3] =	sbarrier.arrive $0xFFFF;
	s2 =	simm.s32 @!p0 $0x1C01  }
0xc8: {  	[timem:s3], [sflag:s2] =	dma.local @!p0 [hbm:s0], s1  }
0xc9: {  	s0 =	simm.s32 @!p0 $0x1  }
0xca: {  	_ =	swait.ge @!p0 [sflag:s0], s1  }
0xcb: {  	s1 =	ssub.s32 @!p0 $0x0, s1;
	[sflag:s0] =	ssyncset.done @!p0 $0x0  }
0xcc: {  	[sflag:s0] =	ssyncadd.s32 @!p0 s1  }
0xcd: {  	[bflag:$0x3] =	sbarrier.arrive $0xFFFF  }
0xce: {  	_ =	shalt  }

</sc_bundles>
